<compile_context>
chip_gen: v7x
topology: tpu7x:2x2x1
jax: 0.10.2.dev20260603
libtpu: 0.0.44.dev20260713+nightly
codegen_flags: <defaults>
</compile_context>

<pallas_src>
import functools

import jax
import jax.numpy as jnp
from jax import lax
from jax.experimental import pallas as pl
from jax.experimental.pallas import tpu as pltpu
from jax.experimental.pallas import tpu_sc as plsc

LATENT = 64
CBSZ = 8192
BATCH = 16384
ENC_BT = 256
DEC_BT = 512

_NC = 2
_NS = 16
_NW = _NC * _NS


def _encode_body(xf_ref, eW1_ref, eb1_ref, eW2_ref, eb2_ref, eW3_ref,
                 eb3_ref, eW4_ref, eb4_ref, cb_ref, lat_ref, ids_ref):
    h = jnp.maximum(jnp.dot(xf_ref[...], eW1_ref[...],
                            preferred_element_type=jnp.float32) + eb1_ref[...], 0.0)
    h = jnp.maximum(jnp.dot(h, eW2_ref[...],
                            preferred_element_type=jnp.float32) + eb2_ref[...], 0.0)
    h = jnp.maximum(jnp.dot(h, eW3_ref[...],
                            preferred_element_type=jnp.float32) + eb3_ref[...], 0.0)
    lat = jnp.dot(h, eW4_ref[...],
                  preferred_element_type=jnp.float32) + eb4_ref[...]
    lat_ref[...] = lat
    cb = cb_ref[...]
    prod = lax.dot_general(lat, cb, (((1,), (1,)), ((), ())),
                           preferred_element_type=jnp.float32)
    lsq = jnp.sum(lat * lat, axis=1, keepdims=True)
    csq = jnp.sum(cb * cb, axis=1)
    dist = lsq - 2.0 * prod + csq[None, :]
    ids_ref[...] = jnp.argmin(dist, axis=1).astype(jnp.int32)


def _decode_body(zq_ref, lat_ref, dW1_ref, db1_ref, dW2_ref, db2_ref,
                 dW3_ref, db3_ref, dW4_ref, db4_ref, dec_ref, loss_ref,
                 zq64_ref):
    i = pl.program_id(0)
    zq = zq_ref[:, :LATENT]
    zq64_ref[...] = zq
    d = jnp.maximum(jnp.dot(zq, dW1_ref[...],
                            preferred_element_type=jnp.float32) + db1_ref[...], 0.0)
    d = jnp.maximum(jnp.dot(d, dW2_ref[...],
                            preferred_element_type=jnp.float32) + db2_ref[...], 0.0)
    d = jnp.maximum(jnp.dot(d, dW3_ref[...],
                            preferred_element_type=jnp.float32) + db3_ref[...], 0.0)
    t = jnp.dot(d, dW4_ref[...],
                preferred_element_type=jnp.float32) + db4_ref[...]
    dec_ref[...] = 1.0 / (1.0 + jnp.exp(-t))
    diff = zq - lat_ref[...]
    part = jnp.sum(diff * diff).reshape(1, 1)

    @pl.when(i == 0)
    def _():
        loss_ref[...] = part

    @pl.when(i != 0)
    def _():
        loss_ref[...] = loss_ref[...] + part


def _full(shape):
    return pl.BlockSpec(shape, lambda i: (0,) * len(shape))


def _encode(xf, eW1, eb1, eW2, eb2, eW3, eb3, eW4, eb4, codebook):
    grid = BATCH // ENC_BT
    return pl.pallas_call(
        _encode_body,
        grid=(grid,),
        in_specs=[
            pl.BlockSpec((ENC_BT, 1024), lambda i: (i, 0)),
            _full((1024, 128)), _full((1, 128)),
            _full((128, 64)), _full((1, 64)),
            _full((64, 32)), _full((1, 32)),
            _full((32, LATENT)), _full((1, LATENT)),
            _full((CBSZ, LATENT)),
        ],
        out_specs=[
            pl.BlockSpec((ENC_BT, LATENT), lambda i: (i, 0)),
            pl.BlockSpec((ENC_BT,), lambda i: (i,)),
        ],
        out_shape=[
            jax.ShapeDtypeStruct((BATCH, LATENT), jnp.float32),
            jax.ShapeDtypeStruct((BATCH,), jnp.int32),
        ],
    )(xf, eW1, eb1, eW2, eb2, eW3, eb3, eW4, eb4, codebook)


_GCHUNKS = 16


def _make_sc_gather():
    b_per_w = BATCH // _NW
    ch = b_per_w // _GCHUNKS
    mesh = plsc.VectorSubcoreMesh(core_axis_name="c", subcore_axis_name="s")

    @functools.partial(
        pl.kernel,
        mesh=mesh,
        out_type=jax.ShapeDtypeStruct((BATCH, 128), jnp.float32),
        scratch_types=[
            pltpu.VMEM((b_per_w,), jnp.int32),
            pltpu.VMEM((b_per_w, 128), jnp.float32),
            pltpu.SemaphoreType.DMA,
        ],
    )
    def gather_k(cb_hbm, idx_hbm, out_hbm, idx_v, rows_v, sem):
        wid = lax.axis_index("s") * _NC + lax.axis_index("c")
        base = wid * b_per_w
        pltpu.sync_copy(idx_hbm.at[pl.ds(base, b_per_w)], idx_v)
        pltpu.sync_copy(cb_hbm.at[pl.ds((wid * 256) % CBSZ, b_per_w)], rows_v)
        pltpu.sync_copy(rows_v, out_hbm.at[pl.ds(base, b_per_w)])

    return gather_k


_sc_gather = _make_sc_gather()


def _decode(zq, latents, dW1, db1, dW2, db2, dW3, db3, dW4, db4):
    grid = BATCH // DEC_BT
    return pl.pallas_call(
        _decode_body,
        grid=(grid,),
        in_specs=[
            pl.BlockSpec((DEC_BT, 128), lambda i: (i, 0)),
            pl.BlockSpec((DEC_BT, LATENT), lambda i: (i, 0)),
            _full((LATENT, 32)), _full((1, 32)),
            _full((32, 64)), _full((1, 64)),
            _full((64, 128)), _full((1, 128)),
            _full((128, 1024)), _full((1, 1024)),
        ],
        out_specs=[
            pl.BlockSpec((DEC_BT, 1024), lambda i: (i, 0)),
            pl.BlockSpec((1, 1), lambda i: (0, 0)),
            pl.BlockSpec((DEC_BT, LATENT), lambda i: (i, 0)),
        ],
        out_shape=[
            jax.ShapeDtypeStruct((BATCH, 1024), jnp.float32),
            jax.ShapeDtypeStruct((1, 1), jnp.float32),
            jax.ShapeDtypeStruct((BATCH, LATENT), jnp.float32),
        ],
    )(zq, latents, dW1, db1, dW2, db2, dW3, db3, dW4, db4)


def kernel(x, eW1, eb1, eW2, eb2, eW3, eb3, eW4, eb4, codebook,
           dW1, db1, dW2, db2, dW3, db3, dW4, db4):
    batch, channels, height, width = x.shape
    xf = x.reshape(batch, -1)
    latents, ids = _encode(
        xf, eW1, eb1.reshape(1, -1), eW2, eb2.reshape(1, -1),
        eW3, eb3.reshape(1, -1), eW4, eb4.reshape(1, -1), codebook)
    cb_pad = jnp.pad(codebook, ((0, 0), (0, 128 - LATENT)))
    gathered = _sc_gather(cb_pad, ids)
    decoded, loss_sum, zq = _decode(
        gathered, latents, dW1, db1.reshape(1, -1), dW2, db2.reshape(1, -1),
        dW3, db3.reshape(1, -1), dW4, db4.reshape(1, -1))
    loss = loss_sum[0, 0] / jnp.float32(BATCH * LATENT)
    decoded = decoded.reshape(batch, channels, height, width)
    return (latents, zq, decoded, loss, loss)

# --- scband reference (transcript-rebuilt; emitter-appended) ---
"""Pipeline reference for scband-linear-vector-quantized-vae-34505767256301 (READ-ONLY COPY).

The authoritative reference and input builder live on the scoring server;
editing this copy changes nothing except your own understanding.
"""

import jax, jax.numpy as jnp
import numpy as np

LATENT_DIM = 64
CODEBOOK_SIZE = 8192
B = 16384

def _lin_params(k, fan_in, fan_out):
    k1, k2 = jax.random.split(k)
    s = 1.0 / np.sqrt(fan_in)
    W = jax.random.uniform(k1, (fan_in, fan_out), minval=-s, maxval=s, dtype=jnp.float32)
    b = jax.random.uniform(k2, (fan_out,), minval=-s, maxval=s, dtype=jnp.float32)
    return W, b

def setup_inputs(seed: int = 0) -> dict:
    key = jax.random.key(seed)
    ks = jax.random.split(key, 11)
    x = jax.random.uniform(ks[0], (B, 1, 32, 32), dtype=jnp.float32)
    eW1, eb1 = _lin_params(ks[1], 32 * 32, 128)
    eW2, eb2 = _lin_params(ks[2], 128, 64)
    eW3, eb3 = _lin_params(ks[3], 64, 32)
    eW4, eb4 = _lin_params(ks[4], 32, LATENT_DIM)
    codebook = jax.random.normal(ks[5], (CODEBOOK_SIZE, LATENT_DIM), dtype=jnp.float32)
    dW1, db1 = _lin_params(ks[6], LATENT_DIM, 32)
    dW2, db2 = _lin_params(ks[7], 32, 64)
    dW3, db3 = _lin_params(ks[8], 64, 128)
    dW4, db4 = _lin_params(ks[9], 128, 32 * 32)
    return {
        "x": x,
        "eW1": eW1, "eb1": eb1, "eW2": eW2, "eb2": eb2,
        "eW3": eW3, "eb3": eb3, "eW4": eW4, "eb4": eb4,
        "codebook": codebook,
        "dW1": dW1, "db1": db1, "dW2": dW2, "db2": db2,
        "dW3": dW3, "db3": db3, "dW4": dW4, "db4": db4,
    }

def reference(x, eW1, eb1, eW2, eb2, eW3, eb3, eW4, eb4, codebook,
              dW1, db1, dW2, db2, dW3, db3, dW4, db4):
    batch, channels, height, width = x.shape
    xf = x.reshape(batch, -1)
    # encoder
    h = jax.nn.relu(xf @ eW1 + eb1)
    h = jax.nn.relu(h @ eW2 + eb2)
    h = jax.nn.relu(h @ eW3 + eb3)
    latents = h @ eW4 + eb4
    # vector quantizer
    dist = (jnp.sum(latents ** 2, axis=1, keepdims=True)
            - 2.0 * latents @ codebook.T
            + jnp.sum(codebook ** 2, axis=1)[None, :])
    ids = jnp.argmin(dist, axis=-1)
    ids_mx = jax.nn.one_hot(ids, CODEBOOK_SIZE, dtype=latents.dtype)
    z_q = ids_mx @ codebook
    # quantize losses + straight-through estimator
    codebook_loss = jnp.mean((z_q - jax.lax.stop_gradient(latents)) ** 2)
    commitment_loss = jnp.mean((jax.lax.stop_gradient(z_q) - latents) ** 2)
    codes = latents + jax.lax.stop_gradient(z_q - latents)
    # decoder
    d = jax.nn.relu(codes @ dW1 + db1)
    d = jax.nn.relu(d @ dW2 + db2)
    d = jax.nn.relu(d @ dW3 + db3)
    decoded = jax.nn.sigmoid(d @ dW4 + db4)
    decoded = decoded.reshape(batch, channels, height, width)
    return (latents, codes, decoded, codebook_loss, commitment_loss)

if __name__ == "__main__":
    import jax
    _d = setup_inputs()
    print(jax.jit(kernel)(*tuple(_d.values())))

</pallas_src>

<mosaic_0001>
#map = affine_map<(d0, d1) -> (0, 0)>
#map1 = affine_map<(d0, d1) -> (0)>
module attributes {stable_mosaic.version = 14 : i64} {
  func.func @gather_k(%arg0: i32, %arg1: i32, %arg2: memref<8192x128xf32, #tpu.memory_space<hbm>>, %arg3: memref<16384xi32, #tpu.memory_space<hbm>>, %arg4: memref<16384x128xf32, #tpu.memory_space<hbm>>, %arg5: memref<512xi32, #tpu.memory_space<vmem>>, %arg6: memref<512x128xf32, #tpu.memory_space<vmem>>, %arg7: memref<!tpu.dma_semaphore, #tpu.memory_space<semaphore_mem>>) attributes {dimension_semantics = [#tpu.dimension_semantics<core_parallel>, #tpu.dimension_semantics<subcore_parallel>], iteration_bounds = array<i64: 2, 16>, scalar_prefetch = 0 : i64, scratch_operands = 3 : i64, tpu.core_type = #tpu.core_type<sc_vector_subcore>, window_params = [{transform_indices = #map}, {transform_indices = #map1}, {transform_indices = #map}]} {
    %mul3A = arith.constant 2 : i32
    %mul3A_0 = arith.muli %arg1, %mul3A : i32
    %add3A = arith.addi %mul3A_0, %arg0 : i32
    %mul3A_1 = arith.constant 512 : i32
    %mul3A_2 = arith.muli %add3A, %mul3A_1 : i32
    "tpu.region"() ({
      %run_scoped3A = tpu.sem_alloc : memref<!tpu.dma_semaphore, #tpu.memory_space<semaphore_mem>>
      %dma_start3A = tpu.memref_slice %arg3[%mul3A_2] : memref<16384xi32, #tpu.memory_space<hbm>> -> memref<512xi32, #tpu.memory_space<hbm>>
      %dma_start3A_14 = tpu.memref_slice %arg3[%mul3A_2] : memref<16384xi32, #tpu.memory_space<hbm>> -> memref<512xi32, #tpu.memory_space<hbm>>
      tpu.enqueue_dma source(%dma_start3A_14 : memref<512xi32, #tpu.memory_space<hbm>>) target(%arg5 : memref<512xi32, #tpu.memory_space<vmem>>) target_semaphore(%run_scoped3A : memref<!tpu.dma_semaphore, #tpu.memory_space<semaphore_mem>>)
      %dma_wait3A = tpu.memref_slice %arg3[%mul3A_2] : memref<16384xi32, #tpu.memory_space<hbm>> -> memref<512xi32, #tpu.memory_space<hbm>>
      %dma_wait3A_15 = tpu.memref_slice %arg3[%mul3A_2] : memref<16384xi32, #tpu.memory_space<hbm>> -> memref<512xi32, #tpu.memory_space<hbm>>
      tpu.wait_dma2 semaphore(%run_scoped3A : memref<!tpu.dma_semaphore, #tpu.memory_space<semaphore_mem>>) src(%dma_wait3A_15 : memref<512xi32, #tpu.memory_space<hbm>>) dst(%arg5 : memref<512xi32, #tpu.memory_space<vmem>>)
      tpu.yield
    }) : () -> ()
    %mul3A_3 = arith.constant 256 : i32
    %mul3A_4 = arith.muli %add3A, %mul3A_3 : i32
    %jit3A = arith.constant 8192 : i32
    %eq3A = arith.constant 0 : i32
    %eq3A_5 = arith.cmpi eq, %jit3A, %eq3A : i32
    %jit3A_6 = arith.constant 1 : i32
    %select_n3A = arith.select %eq3A_5, %jit3A_6, %jit3A : i32
    %rem3A = arith.remsi %mul3A_4, %select_n3A : i32
    %ne3A = arith.constant 0 : i32
    %ne3A_7 = arith.cmpi ne, %rem3A, %ne3A : i32
    %lt3A = arith.constant 0 : i32
    %lt3A_8 = arith.cmpi slt, %rem3A, %lt3A : i32
    %lt3A_9 = arith.constant 0 : i32
    %lt3A_10 = arith.cmpi slt, %select_n3A, %lt3A_9 : i32
    %ne3A_11 = arith.xori %lt3A_8, %lt3A_10 : i1
    %and3A = arith.andi %ne3A_11, %ne3A_7 : i1
    %add3A_12 = arith.addi %rem3A, %select_n3A : i32
    %select_n3A_13 = arith.select %and3A, %add3A_12, %rem3A : i32
    "tpu.region"() ({
      %run_scoped3A = tpu.sem_alloc : memref<!tpu.dma_semaphore, #tpu.memory_space<semaphore_mem>>
      %dma_start3A = arith.constant 0 : i32
      %dma_start3A_14 = tpu.memref_slice %arg2[%select_n3A_13, %dma_start3A] : memref<8192x128xf32, #tpu.memory_space<hbm>> -> memref<512x128xf32, #tpu.memory_space<hbm>>
      %dma_start3A_15 = arith.constant 0 : i32
      %dma_start3A_16 = tpu.memref_slice %arg2[%select_n3A_13, %dma_start3A_15] : memref<8192x128xf32, #tpu.memory_space<hbm>> -> memref<512x128xf32, #tpu.memory_space<hbm>>
      tpu.enqueue_dma source(%dma_start3A_16 : memref<512x128xf32, #tpu.memory_space<hbm>>) target(%arg6 : memref<512x128xf32, #tpu.memory_space<vmem>>) target_semaphore(%run_scoped3A : memref<!tpu.dma_semaphore, #tpu.memory_space<semaphore_mem>>)
      %dma_wait3A = arith.constant 0 : i32
      %dma_wait3A_17 = tpu.memref_slice %arg2[%select_n3A_13, %dma_wait3A] : memref<8192x128xf32, #tpu.memory_space<hbm>> -> memref<512x128xf32, #tpu.memory_space<hbm>>
      %dma_wait3A_18 = arith.constant 0 : i32
      %dma_wait3A_19 = tpu.memref_slice %arg2[%select_n3A_13, %dma_wait3A_18] : memref<8192x128xf32, #tpu.memory_space<hbm>> -> memref<512x128xf32, #tpu.memory_space<hbm>>
      tpu.wait_dma2 semaphore(%run_scoped3A : memref<!tpu.dma_semaphore, #tpu.memory_space<semaphore_mem>>) src(%dma_wait3A_19 : memref<512x128xf32, #tpu.memory_space<hbm>>) dst(%arg6 : memref<512x128xf32, #tpu.memory_space<vmem>>)
      tpu.yield
    }) : () -> ()
    "tpu.region"() ({
      %run_scoped3A = tpu.sem_alloc : memref<!tpu.dma_semaphore, #tpu.memory_space<semaphore_mem>>
      %dma_start3A = arith.constant 0 : i32
      %dma_start3A_14 = tpu.memref_slice %arg4[%mul3A_2, %dma_start3A] : memref<16384x128xf32, #tpu.memory_space<hbm>> -> memref<512x128xf32, #tpu.memory_space<hbm>>
      %dma_start3A_15 = arith.constant 0 : i32
      %dma_start3A_16 = tpu.memref_slice %arg4[%mul3A_2, %dma_start3A_15] : memref<16384x128xf32, #tpu.memory_space<hbm>> -> memref<512x128xf32, #tpu.memory_space<hbm>>
      tpu.enqueue_dma source(%arg6 : memref<512x128xf32, #tpu.memory_space<vmem>>) target(%dma_start3A_16 : memref<512x128xf32, #tpu.memory_space<hbm>>) target_semaphore(%run_scoped3A : memref<!tpu.dma_semaphore, #tpu.memory_space<semaphore_mem>>)
      %dma_wait3A = arith.constant 0 : i32
      %dma_wait3A_17 = tpu.memref_slice %arg4[%mul3A_2, %dma_wait3A] : memref<16384x128xf32, #tpu.memory_space<hbm>> -> memref<512x128xf32, #tpu.memory_space<hbm>>
      %dma_wait3A_18 = arith.constant 0 : i32
      %dma_wait3A_19 = tpu.memref_slice %arg4[%mul3A_2, %dma_wait3A_18] : memref<16384x128xf32, #tpu.memory_space<hbm>> -> memref<512x128xf32, #tpu.memory_space<hbm>>
      tpu.wait_dma2 semaphore(%run_scoped3A : memref<!tpu.dma_semaphore, #tpu.memory_space<semaphore_mem>>) src(%arg6 : memref<512x128xf32, #tpu.memory_space<vmem>>) dst(%dma_wait3A_19 : memref<512x128xf32, #tpu.memory_space<hbm>>)
      tpu.yield
    }) : () -> ()
    return
  }
}

module attributes {stable_mosaic.version = 14 : i64} {
  func.func @_encode_body(%arg0: i32, %arg1: memref<256x1024xf32, #tpu.memory_space<vmem>>, %arg2: memref<1024x128xf32, #tpu.memory_space<vmem>>, %arg3: memref<1x128xf32, #tpu.memory_space<vmem>>, %arg4: memref<128x64xf32, #tpu.memory_space<vmem>>, %arg5: memref<1x64xf32, #tpu.memory_space<vmem>>, %arg6: memref<64x32xf32, #tpu.memory_space<vmem>>, %arg7: memref<1x32xf32, #tpu.memory_space<vmem>>, %arg8: memref<32x64xf32, #tpu.memory_space<vmem>>, %arg9: memref<1x64xf32, #tpu.memory_space<vmem>>, %arg10: memref<8192x64xf32, #tpu.memory_space<vmem>>, %arg11: memref<256x64xf32, #tpu.memory_space<vmem>>, %arg12: memref<256xi32, #tpu.memory_space<vmem>>) attributes {dimension_semantics = [#tpu.dimension_semantics<arbitrary>], iteration_bounds = array<i64: 64>, scalar_prefetch = 0 : i64, scratch_operands = 0 : i64, tpu.core_type = #tpu.core_type<tc>, window_params = [{transform_indices = @transform_0, window_bounds = array<i64: 256, 1024>}, {pipeline_mode = #tpu.pipeline_mode<synchronous>, transform_indices = @transform_1, window_bounds = array<i64: 1024, 128>}, {pipeline_mode = #tpu.pipeline_mode<synchronous>, transform_indices = @transform_2, window_bounds = array<i64: 1, 128>}, {pipeline_mode = #tpu.pipeline_mode<synchronous>, transform_indices = @transform_3, window_bounds = array<i64: 128, 64>}, {pipeline_mode = #tpu.pipeline_mode<synchronous>, transform_indices = @transform_4, window_bounds = array<i64: 1, 64>}, {pipeline_mode = #tpu.pipeline_mode<synchronous>, transform_indices = @transform_5, window_bounds = array<i64: 64, 32>}, {pipeline_mode = #tpu.pipeline_mode<synchronous>, transform_indices = @transform_6, window_bounds = array<i64: 1, 32>}, {pipeline_mode = #tpu.pipeline_mode<synchronous>, transform_indices = @transform_7, window_bounds = array<i64: 32, 64>}, {pipeline_mode = #tpu.pipeline_mode<synchronous>, transform_indices = @transform_8, window_bounds = array<i64: 1, 64>}, {pipeline_mode = #tpu.pipeline_mode<synchronous>, transform_indices = @transform_9, window_bounds = array<i64: 8192, 64>}, {transform_indices = @transform_10, window_bounds = array<i64: 256, 64>}, {transform_indices = @transform_11, window_bounds = array<i64: 256>}]} {
    %get3A = arith.constant 0 : index
    %get3A_0 = arith.constant 0 : index
    %get3A_1 = vector.load %arg1[%get3A, %get3A_0] : memref<256x1024xf32, #tpu.memory_space<vmem>>, vector<256x1024xf32>
    %get3A_2 = arith.constant 0 : index
    %get3A_3 = arith.constant 0 : index
    %get3A_4 = vector.load %arg2[%get3A_2, %get3A_3] : memref<1024x128xf32, #tpu.memory_space<vmem>>, vector<1024x128xf32>
    %dot_general3A = arith.constant dense<0.000000e+00> : vector<256x128xf32>
    %dot_general3A_5 = tpu.matmul %get3A_1, %get3A_4, %dot_general3A {dimension_numbers = #tpu.dot_dimension_numbers<[1], [0], [0], [1], [0, 0, 1, 1], [], []>, transpose_lhs_hint = false} : vector<256x1024xf32>, vector<1024x128xf32>, vector<256x128xf32> -> vector<256x128xf32>
    %get3A_6 = arith.constant 0 : index
    %get3A_7 = arith.constant 0 : index
    %get3A_8 = vector.load %arg3[%get3A_6, %get3A_7] : memref<1x128xf32, #tpu.memory_space<vmem>>, vector<1x128xf32>
    %add3A = vector.broadcast %get3A_8 : vector<1x128xf32> to vector<256x128xf32>
    %add3A_9 = arith.addf %dot_general3A_5, %add3A : vector<256x128xf32>
    %max3A = arith.constant 0.000000e+00 : f32
    %max3A_10 = vector.broadcast %max3A : f32 to vector<256x128xf32>
    %max3A_11 = arith.maximumf %add3A_9, %max3A_10 : vector<256x128xf32>
    %get3A_12 = arith.constant 0 : index
    %get3A_13 = arith.constant 0 : index
    %get3A_14 = vector.load %arg4[%get3A_12, %get3A_13] : memref<128x64xf32, #tpu.memory_space<vmem>>, vector<128x64xf32>
    %dot_general3A_15 = arith.constant dense<0.000000e+00> : vector<256x64xf32>
    %dot_general3A_16 = tpu.matmul %max3A_11, %get3A_14, %dot_general3A_15 {dimension_numbers = #tpu.dot_dimension_numbers<[1], [0], [0], [1], [0, 0, 1, 1], [], []>, transpose_lhs_hint = false} : vector<256x128xf32>, vector<128x64xf32>, vector<256x64xf32> -> vector<256x64xf32>
    %get3A_17 = arith.constant 0 : index
    %get3A_18 = arith.constant 0 : index
    %get3A_19 = vector.load %arg5[%get3A_17, %get3A_18] : memref<1x64xf32, #tpu.memory_space<vmem>>, vector<1x64xf32>
    %add3A_20 = vector.broadcast %get3A_19 : vector<1x64xf32> to vector<256x64xf32>
    %add3A_21 = arith.addf %dot_general3A_16, %add3A_20 : vector<256x64xf32>
    %max3A_22 = arith.constant 0.000000e+00 : f32
    %max3A_23 = vector.broadcast %max3A_22 : f32 to vector<256x64xf32>
    %max3A_24 = arith.maximumf %add3A_21, %max3A_23 : vector<256x64xf32>
    %get3A_25 = arith.constant 0 : index
    %get3A_26 = arith.constant 0 : index
    %get3A_27 = vector.load %arg6[%get3A_25, %get3A_26] : memref<64x32xf32, #tpu.memory_space<vmem>>, vector<64x32xf32>
    %dot_general3A_28 = arith.constant dense<0.000000e+00> : vector<256x32xf32>
    %dot_general3A_29 = tpu.matmul %max3A_24, %get3A_27, %dot_general3A_28 {dimension_numbers = #tpu.dot_dimension_numbers<[1], [0], [0], [1], [0, 0, 1, 1], [], []>, transpose_lhs_hint = false} : vector<256x64xf32>, vector<64x32xf32>, vector<256x32xf32> -> vector<256x32xf32>
    %get3A_30 = arith.constant 0 : index
    %get3A_31 = arith.constant 0 : index
    %get3A_32 = vector.load %arg7[%get3A_30, %get3A_31] : memref<1x32xf32, #tpu.memory_space<vmem>>, vector<1x32xf32>
    %add3A_33 = vector.broadcast %get3A_32 : vector<1x32xf32> to vector<256x32xf32>
    %add3A_34 = arith.addf %dot_general3A_29, %add3A_33 : vector<256x32xf32>
    %max3A_35 = arith.constant 0.000000e+00 : f32
    %max3A_36 = vector.broadcast %max3A_35 : f32 to vector<256x32xf32>
    %max3A_37 = arith.maximumf %add3A_34, %max3A_36 : vector<256x32xf32>
    %get3A_38 = arith.constant 0 : index
    %get3A_39 = arith.constant 0 : index
    %get3A_40 = vector.load %arg8[%get3A_38, %get3A_39] : memref<32x64xf32, #tpu.memory_space<vmem>>, vector<32x64xf32>
    %dot_general3A_41 = arith.constant dense<0.000000e+00> : vector<256x64xf32>
    %dot_general3A_42 = tpu.matmul %max3A_37, %get3A_40, %dot_general3A_41 {dimension_numbers = #tpu.dot_dimension_numbers<[1], [0], [0], [1], [0, 0, 1, 1], [], []>, transpose_lhs_hint = false} : vector<256x32xf32>, vector<32x64xf32>, vector<256x64xf32> -> vector<256x64xf32>
    %get3A_43 = arith.constant 0 : index
    %get3A_44 = arith.constant 0 : index
    %get3A_45 = vector.load %arg9[%get3A_43, %get3A_44] : memref<1x64xf32, #tpu.memory_space<vmem>>, vector<1x64xf32>
    %add3A_46 = vector.broadcast %get3A_45 : vector<1x64xf32> to vector<256x64xf32>
    %add3A_47 = arith.addf %dot_general3A_42, %add3A_46 : vector<256x64xf32>
    %swap3A = arith.constant 0 : index
    %swap3A_48 = arith.constant 0 : index
    %swap3A_49 = vector.load %arg11[%swap3A, %swap3A_48] : memref<256x64xf32, #tpu.memory_space<vmem>>, vector<256x64xf32>
    tpu.vector_store %arg11[%swap3A, %swap3A_48], %add3A_47 {strides = array<i32>} : memref<256x64xf32, #tpu.memory_space<vmem>>, vector<256x64xf32>,
    %get3A_50 = arith.constant 0 : index
    %get3A_51 = arith.constant 0 : index
    %get3A_52 = vector.load %arg10[%get3A_50, %get3A_51] : memref<8192x64xf32, #tpu.memory_space<vmem>>, vector<8192x64xf32>
    %dot_general3A_53 = arith.constant dense<0.000000e+00> : vector<256x8192xf32>
    %dot_general3A_54 = tpu.matmul %add3A_47, %get3A_52, %dot_general3A_53 {dimension_numbers = #tpu.dot_dimension_numbers<[1], [1], [0], [0], [0, 0, 1, 0], [], []>, transpose_lhs_hint = false} : vector<256x64xf32>, vector<8192x64xf32>, vector<256x8192xf32> -> vector<256x8192xf32>
    %mul3A = arith.mulf %add3A_47, %add3A_47 : vector<256x64xf32>
    %reduce_sum3A = arith.constant dense<0.000000e+00> : vector<256xf32>
    %reduce_sum3A_55 = vector.multi_reduction <add>, %mul3A, %reduce_sum3A [1] : vector<256x64xf32> to vector<256xf32>
    %broadcast_in_dim3A = vector.shape_cast %reduce_sum3A_55 : vector<256xf32> to vector<256x1xf32>
    %mul3A_56 = arith.mulf %get3A_52, %get3A_52 : vector<8192x64xf32>
    %reduce_sum3A_57 = arith.constant dense<0.000000e+00> : vector<8192xf32>
    %reduce_sum3A_58 = vector.multi_reduction <add>, %mul3A_56, %reduce_sum3A_57 [1] : vector<8192x64xf32> to vector<8192xf32>
    %mul3A_59 = arith.constant 2.000000e+00 : f32
    %mul3A_60 = vector.broadcast %mul3A_59 : f32 to vector<256x8192xf32>
    %mul3A_61 = arith.mulf %mul3A_60, %dot_general3A_54 : vector<256x8192xf32>
    %sub3A = vector.broadcast %broadcast_in_dim3A : vector<256x1xf32> to vector<256x8192xf32>
    %sub3A_62 = arith.subf %sub3A, %mul3A_61 : vector<256x8192xf32>
    %broadcast_in_dim3A_63 = vector.shape_cast %reduce_sum3A_58 : vector<8192xf32> to vector<1x8192xf32>
    %add3A_64 = vector.broadcast %broadcast_in_dim3A_63 : vector<1x8192xf32> to vector<256x8192xf32>
    %add3A_65 = arith.addf %sub3A_62, %add3A_64 : vector<256x8192xf32>
    %argmin3A = tpu.reduce_index %add3A_65 {axis = 1 : i32, kind = #tpu.reduction_kind<arg_min>} : vector<256x8192xf32> -> vector<256xi32>
    %swap3A_66 = arith.constant 0 : index
    %swap3A_67 = vector.load %arg12[%swap3A_66] : memref<256xi32, #tpu.memory_space<vmem>>, vector<256xi32>
    tpu.vector_store %arg12[%swap3A_66], %argmin3A {strides = array<i32>} : memref<256xi32, #tpu.memory_space<vmem>>, vector<256xi32>,
    return
  }
  func.func @transform_0(%arg0: i32) -> (i32, i32) {
    %c0_i32 = arith.constant 0 : i32
    %c0_i32_0 = arith.constant 0 : i32
    return %arg0, %c0_i32 : i32, i32
  }
  func.func @transform_1(%arg0: i32) -> (i32, i32) {
    %c0_i32 = arith.constant 0 : i32
    %c0_i32_0 = arith.constant 0 : i32
    %c0_i32_1 = arith.constant 0 : i32
    return %c0_i32, %c0_i32_0 : i32, i32
  }
  func.func @transform_2(%arg0: i32) -> (i32, i32) {
    %c0_i32 = arith.constant 0 : i32
    %c0_i32_0 = arith.constant 0 : i32
    %c0_i32_1 = arith.constant 0 : i32
    return %c0_i32, %c0_i32_0 : i32, i32
  }
  func.func @transform_3(%arg0: i32) -> (i32, i32) {
    %c0_i32 = arith.constant 0 : i32
    %c0_i32_0 = arith.constant 0 : i32
    %c0_i32_1 = arith.constant 0 : i32
    return %c0_i32, %c0_i32_0 : i32, i32
  }
  func.func @transform_4(%arg0: i32) -> (i32, i32) {
    %c0_i32 = arith.constant 0 : i32
    %c0_i32_0 = arith.constant 0 : i32
    %c0_i32_1 = arith.constant 0 : i32
    return %c0_i32, %c0_i32_0 : i32, i32
  }
  func.func @transform_5(%arg0: i32) -> (i32, i32) {
    %c0_i32 = arith.constant 0 : i32
    %c0_i32_0 = arith.constant 0 : i32
    %c0_i32_1 = arith.constant 0 : i32
    return %c0_i32, %c0_i32_0 : i32, i32
  }
  func.func @transform_6(%arg0: i32) -> (i32, i32) {
    %c0_i32 = arith.constant 0 : i32
    %c0_i32_0 = arith.constant 0 : i32
    %c0_i32_1 = arith.constant 0 : i32
    return %c0_i32, %c0_i32_0 : i32, i32
  }
  func.func @transform_7(%arg0: i32) -> (i32, i32) {
    %c0_i32 = arith.constant 0 : i32
    %c0_i32_0 = arith.constant 0 : i32
    %c0_i32_1 = arith.constant 0 : i32
    return %c0_i32, %c0_i32_0 : i32, i32
  }
  func.func @transform_8(%arg0: i32) -> (i32, i32) {
    %c0_i32 = arith.constant 0 : i32
    %c0_i32_0 = arith.constant 0 : i32
    %c0_i32_1 = arith.constant 0 : i32
    return %c0_i32, %c0_i32_0 : i32, i32
  }
  func.func @transform_9(%arg0: i32) -> (i32, i32) {
    %c0_i32 = arith.constant 0 : i32
    %c0_i32_0 = arith.constant 0 : i32
    %c0_i32_1 = arith.constant 0 : i32
    return %c0_i32, %c0_i32_0 : i32, i32
  }
  func.func @transform_10(%arg0: i32) -> (i32, i32) {
    %c0_i32 = arith.constant 0 : i32
    %c0_i32_0 = arith.constant 0 : i32
    return %arg0, %c0_i32 : i32, i32
  }
  func.func @transform_11(%arg0: i32) -> i32 {
    %c0_i32 = arith.constant 0 : i32
    return %arg0 : i32
  }
}

module attributes {stable_mosaic.version = 14 : i64} {
  func.func @_decode_body(%arg0: i32, %arg1: memref<512x128xf32, #tpu.memory_space<vmem>>, %arg2: memref<512x64xf32, #tpu.memory_space<vmem>>, %arg3: memref<64x32xf32, #tpu.memory_space<vmem>>, %arg4: memref<1x32xf32, #tpu.memory_space<vmem>>, %arg5: memref<32x64xf32, #tpu.memory_space<vmem>>, %arg6: memref<1x64xf32, #tpu.memory_space<vmem>>, %arg7: memref<64x128xf32, #tpu.memory_space<vmem>>, %arg8: memref<1x128xf32, #tpu.memory_space<vmem>>, %arg9: memref<128x1024xf32, #tpu.memory_space<vmem>>, %arg10: memref<1x1024xf32, #tpu.memory_space<vmem>>, %arg11: memref<512x1024xf32, #tpu.memory_space<vmem>>, %arg12: memref<1x1xf32, #tpu.memory_space<vmem>>, %arg13: memref<512x64xf32, #tpu.memory_space<vmem>>) attributes {dimension_semantics = [#tpu.dimension_semantics<arbitrary>], iteration_bounds = array<i64: 32>, scalar_prefetch = 0 : i64, scratch_operands = 0 : i64, tpu.core_type = #tpu.core_type<tc>, window_params = [{transform_indices = @transform_0, window_bounds = array<i64: 512, 128>}, {transform_indices = @transform_1, window_bounds = array<i64: 512, 64>}, {pipeline_mode = #tpu.pipeline_mode<synchronous>, transform_indices = @transform_2, window_bounds = array<i64: 64, 32>}, {pipeline_mode = #tpu.pipeline_mode<synchronous>, transform_indices = @transform_3, window_bounds = array<i64: 1, 32>}, {pipeline_mode = #tpu.pipeline_mode<synchronous>, transform_indices = @transform_4, window_bounds = array<i64: 32, 64>}, {pipeline_mode = #tpu.pipeline_mode<synchronous>, transform_indices = @transform_5, window_bounds = array<i64: 1, 64>}, {pipeline_mode = #tpu.pipeline_mode<synchronous>, transform_indices = @transform_6, window_bounds = array<i64: 64, 128>}, {pipeline_mode = #tpu.pipeline_mode<synchronous>, transform_indices = @transform_7, window_bounds = array<i64: 1, 128>}, {pipeline_mode = #tpu.pipeline_mode<synchronous>, transform_indices = @transform_8, window_bounds = array<i64: 128, 1024>}, {pipeline_mode = #tpu.pipeline_mode<synchronous>, transform_indices = @transform_9, window_bounds = array<i64: 1, 1024>}, {transform_indices = @transform_10, window_bounds = array<i64: 512, 1024>}, {pipeline_mode = #tpu.pipeline_mode<synchronous>, transform_indices = @transform_11, window_bounds = array<i64: 1, 1>}, {transform_indices = @transform_12, window_bounds = array<i64: 512, 64>}]} {
    %get3A = arith.constant 0 : index
    %get3A_0 = arith.constant 0 : index
    %get3A_1 = vector.load %arg1[%get3A, %get3A_0] : memref<512x128xf32, #tpu.memory_space<vmem>>, vector<512x64xf32>
    %swap3A = arith.constant 0 : index
    %swap3A_2 = arith.constant 0 : index
    %swap3A_3 = vector.load %arg13[%swap3A, %swap3A_2] : memref<512x64xf32, #tpu.memory_space<vmem>>, vector<512x64xf32>
    tpu.vector_store %arg13[%swap3A, %swap3A_2], %get3A_1 {strides = array<i32>} : memref<512x64xf32, #tpu.memory_space<vmem>>, vector<512x64xf32>,
    %get3A_4 = arith.constant 0 : index
    %get3A_5 = arith.constant 0 : index
    %get3A_6 = vector.load %arg3[%get3A_4, %get3A_5] : memref<64x32xf32, #tpu.memory_space<vmem>>, vector<64x32xf32>
    %dot_general3A = arith.constant dense<0.000000e+00> : vector<512x32xf32>
    %dot_general3A_7 = tpu.matmul %get3A_1, %get3A_6, %dot_general3A {dimension_numbers = #tpu.dot_dimension_numbers<[1], [0], [0], [1], [0, 0, 1, 1], [], []>, transpose_lhs_hint = false} : vector<512x64xf32>, vector<64x32xf32>, vector<512x32xf32> -> vector<512x32xf32>
    %get3A_8 = arith.constant 0 : index
    %get3A_9 = arith.constant 0 : index
    %get3A_10 = vector.load %arg4[%get3A_8, %get3A_9] : memref<1x32xf32, #tpu.memory_space<vmem>>, vector<1x32xf32>
    %add3A = vector.broadcast %get3A_10 : vector<1x32xf32> to vector<512x32xf32>
    %add3A_11 = arith.addf %dot_general3A_7, %add3A : vector<512x32xf32>
    %max3A = arith.constant 0.000000e+00 : f32
    %max3A_12 = vector.broadcast %max3A : f32 to vector<512x32xf32>
    %max3A_13 = arith.maximumf %add3A_11, %max3A_12 : vector<512x32xf32>
    %get3A_14 = arith.constant 0 : index
    %get3A_15 = arith.constant 0 : index
    %get3A_16 = vector.load %arg5[%get3A_14, %get3A_15] : memref<32x64xf32, #tpu.memory_space<vmem>>, vector<32x64xf32>
    %dot_general3A_17 = arith.constant dense<0.000000e+00> : vector<512x64xf32>
    %dot_general3A_18 = tpu.matmul %max3A_13, %get3A_16, %dot_general3A_17 {dimension_numbers = #tpu.dot_dimension_numbers<[1], [0], [0], [1], [0, 0, 1, 1], [], []>, transpose_lhs_hint = false} : vector<512x32xf32>, vector<32x64xf32>, vector<512x64xf32> -> vector<512x64xf32>
    %get3A_19 = arith.constant 0 : index
    %get3A_20 = arith.constant 0 : index
    %get3A_21 = vector.load %arg6[%get3A_19, %get3A_20] : memref<1x64xf32, #tpu.memory_space<vmem>>, vector<1x64xf32>
    %add3A_22 = vector.broadcast %get3A_21 : vector<1x64xf32> to vector<512x64xf32>
    %add3A_23 = arith.addf %dot_general3A_18, %add3A_22 : vector<512x64xf32>
    %max3A_24 = arith.constant 0.000000e+00 : f32
    %max3A_25 = vector.broadcast %max3A_24 : f32 to vector<512x64xf32>
    %max3A_26 = arith.maximumf %add3A_23, %max3A_25 : vector<512x64xf32>
    %get3A_27 = arith.constant 0 : index
    %get3A_28 = arith.constant 0 : index
    %get3A_29 = vector.load %arg7[%get3A_27, %get3A_28] : memref<64x128xf32, #tpu.memory_space<vmem>>, vector<64x128xf32>
    %dot_general3A_30 = arith.constant dense<0.000000e+00> : vector<512x128xf32>
    %dot_general3A_31 = tpu.matmul %max3A_26, %get3A_29, %dot_general3A_30 {dimension_numbers = #tpu.dot_dimension_numbers<[1], [0], [0], [1], [0, 0, 1, 1], [], []>, transpose_lhs_hint = false} : vector<512x64xf32>, vector<64x128xf32>, vector<512x128xf32> -> vector<512x128xf32>
    %get3A_32 = arith.constant 0 : index
    %get3A_33 = arith.constant 0 : index
    %get3A_34 = vector.load %arg8[%get3A_32, %get3A_33] : memref<1x128xf32, #tpu.memory_space<vmem>>, vector<1x128xf32>
    %add3A_35 = vector.broadcast %get3A_34 : vector<1x128xf32> to vector<512x128xf32>
    %add3A_36 = arith.addf %dot_general3A_31, %add3A_35 : vector<512x128xf32>
    %max3A_37 = arith.constant 0.000000e+00 : f32
    %max3A_38 = vector.broadcast %max3A_37 : f32 to vector<512x128xf32>
    %max3A_39 = arith.maximumf %add3A_36, %max3A_38 : vector<512x128xf32>
    %get3A_40 = arith.constant 0 : index
    %get3A_41 = arith.constant 0 : index
    %get3A_42 = vector.load %arg9[%get3A_40, %get3A_41] : memref<128x1024xf32, #tpu.memory_space<vmem>>, vector<128x1024xf32>
    %dot_general3A_43 = arith.constant dense<0.000000e+00> : vector<512x1024xf32>
    %dot_general3A_44 = tpu.matmul %max3A_39, %get3A_42, %dot_general3A_43 {dimension_numbers = #tpu.dot_dimension_numbers<[1], [0], [0], [1], [0, 0, 1, 1], [], []>, transpose_lhs_hint = false} : vector<512x128xf32>, vector<128x1024xf32>, vector<512x1024xf32> -> vector<512x1024xf32>
    %get3A_45 = arith.constant 0 : index
    %get3A_46 = arith.constant 0 : index
    %get3A_47 = vector.load %arg10[%get3A_45, %get3A_46] : memref<1x1024xf32, #tpu.memory_space<vmem>>, vector<1x1024xf32>
    %add3A_48 = vector.broadcast %get3A_47 : vector<1x1024xf32> to vector<512x1024xf32>
    %add3A_49 = arith.addf %dot_general3A_44, %add3A_48 : vector<512x1024xf32>
    %neg3A = arith.constant 0.000000e+00 : f32
    %neg3A_50 = vector.broadcast %neg3A : f32 to vector<512x1024xf32>
    %neg3A_51 = arith.subf %neg3A_50, %add3A_49 : vector<512x1024xf32>
    %exp3A = math.exp %neg3A_51 : vector<512x1024xf32>
    %add3A_52 = arith.constant 1.000000e+00 : f32
    %add3A_53 = vector.broadcast %add3A_52 : f32 to vector<512x1024xf32>
    %add3A_54 = arith.addf %add3A_53, %exp3A : vector<512x1024xf32>
    %div3A = arith.constant 1.000000e+00 : f32
    %div3A_55 = vector.broadcast %div3A : f32 to vector<512x1024xf32>
    %div3A_56 = arith.divf %div3A_55, %add3A_54 : vector<512x1024xf32>
    %swap3A_57 = arith.constant 0 : index
    %swap3A_58 = arith.constant 0 : index
    %swap3A_59 = vector.load %arg11[%swap3A_57, %swap3A_58] : memref<512x1024xf32, #tpu.memory_space<vmem>>, vector<512x1024xf32>
    tpu.vector_store %arg11[%swap3A_57, %swap3A_58], %div3A_56 {strides = array<i32>} : memref<512x1024xf32, #tpu.memory_space<vmem>>, vector<512x1024xf32>,
    %get3A_60 = arith.constant 0 : index
    %get3A_61 = arith.constant 0 : index
    %get3A_62 = vector.load %arg2[%get3A_60, %get3A_61] : memref<512x64xf32, #tpu.memory_space<vmem>>, vector<512x64xf32>
    %sub3A = arith.subf %get3A_1, %get3A_62 : vector<512x64xf32>
    %mul3A = arith.mulf %sub3A, %sub3A : vector<512x64xf32>
    %reduce_sum3A = vector.shape_cast %mul3A : vector<512x64xf32> to vector<1x512x64xf32>
    %reduce_sum3A_63 = arith.constant dense<0.000000e+00> : vector<1xf32>
    %reduce_sum3A_64 = vector.multi_reduction <add>, %reduce_sum3A, %reduce_sum3A_63 [1, 2] : vector<1x512x64xf32> to vector<1xf32>
    %reduce_sum3A_65 = vector.shape_cast %reduce_sum3A_64 : vector<1xf32> to vector<1x1x1xf32>
    %reduce_sum3A_66 = vector.extract %reduce_sum3A_65[0, 0, 0] : f32 from vector<1x1x1xf32>
    %reshape3A = vector.broadcast %reduce_sum3A_66 : f32 to vector<1x1xf32>
    %eq3A = arith.constant 0 : i32
    %eq3A_67 = arith.cmpi eq, %arg0, %eq3A : i32
    %convert_element_type3A = arith.extui %eq3A_67 : i1 to i32
    %cond3A = arith.constant 0 : i32
    %cond3A_68 = arith.cmpi ne, %convert_element_type3A, %cond3A : i32
    scf.if %cond3A_68 {
      %swap3A_73 = arith.constant 0 : index
      %swap3A_74 = arith.constant 0 : index
      %swap3A_75 = vector.load %arg12[%swap3A_73, %swap3A_74] : memref<1x1xf32, #tpu.memory_space<vmem>>, vector<1x1xf32>
      tpu.vector_store %arg12[%swap3A_73, %swap3A_74], %reshape3A {strides = array<i32>} : memref<1x1xf32, #tpu.memory_space<vmem>>, vector<1x1xf32>,
    } else {
    }
    %ne3A = arith.constant 0 : i32
    %ne3A_69 = arith.cmpi ne, %arg0, %ne3A : i32
    %convert_element_type3A_70 = arith.extui %ne3A_69 : i1 to i32
    %cond3A_71 = arith.constant 0 : i32
    %cond3A_72 = arith.cmpi ne, %convert_element_type3A_70, %cond3A_71 : i32
    scf.if %cond3A_72 {
      %get3A_73 = arith.constant 0 : index
      %get3A_74 = arith.constant 0 : index
      %get3A_75 = vector.load %arg12[%get3A_73, %get3A_74] : memref<1x1xf32, #tpu.memory_space<vmem>>, vector<1x1xf32>
      %add3A_76 = arith.addf %get3A_75, %reshape3A : vector<1x1xf32>
      %swap3A_77 = arith.constant 0 : index
      %swap3A_78 = arith.constant 0 : index
      %swap3A_79 = vector.load %arg12[%swap3A_77, %swap3A_78] : memref<1x1xf32, #tpu.memory_space<vmem>>, vector<1x1xf32>
      tpu.vector_store %arg12[%swap3A_77, %swap3A_78], %add3A_76 {strides = array<i32>} : memref<1x1xf32, #tpu.memory_space<vmem>>, vector<1x1xf32>,
    } else {
    }
    return
  }
  func.func @transform_0(%arg0: i32) -> (i32, i32) {
    %c0_i32 = arith.constant 0 : i32
    %c0_i32_0 = arith.constant 0 : i32
    return %arg0, %c0_i32 : i32, i32
  }
  func.func @transform_1(%arg0: i32) -> (i32, i32) {
    %c0_i32 = arith.constant 0 : i32
    %c0_i32_0 = arith.constant 0 : i32
    return %arg0, %c0_i32 : i32, i32
  }
  func.func @transform_2(%arg0: i32) -> (i32, i32) {
    %c0_i32 = arith.constant 0 : i32
    %c0_i32_0 = arith.constant 0 : i32
    %c0_i32_1 = arith.constant 0 : i32
    return %c0_i32, %c0_i32_0 : i32, i32
  }
  func.func @transform_3(%arg0: i32) -> (i32, i32) {
    %c0_i32 = arith.constant 0 : i32
    %c0_i32_0 = arith.constant 0 : i32
    %c0_i32_1 = arith.constant 0 : i32
    return %c0_i32, %c0_i32_0 : i32, i32
  }
  func.func @transform_4(%arg0: i32) -> (i32, i32) {
    %c0_i32 = arith.constant 0 : i32
    %c0_i32_0 = arith.constant 0 : i32
    %c0_i32_1 = arith.constant 0 : i32
    return %c0_i32, %c0_i32_0 : i32, i32
  }
  func.func @transform_5(%arg0: i32) -> (i32, i32) {
    %c0_i32 = arith.constant 0 : i32
    %c0_i32_0 = arith.constant 0 : i32
    %c0_i32_1 = arith.constant 0 : i32
    return %c0_i32, %c0_i32_0 : i32, i32
  }
  func.func @transform_6(%arg0: i32) -> (i32, i32) {
    %c0_i32 = arith.constant 0 : i32
    %c0_i32_0 = arith.constant 0 : i32
    %c0_i32_1 = arith.constant 0 : i32
    return %c0_i32, %c0_i32_0 : i32, i32
  }
  func.func @transform_7(%arg0: i32) -> (i32, i32) {
    %c0_i32 = arith.constant 0 : i32
    %c0_i32_0 = arith.constant 0 : i32
    %c0_i32_1 = arith.constant 0 : i32
    return %c0_i32, %c0_i32_0 : i32, i32
  }
  func.func @transform_8(%arg0: i32) -> (i32, i32) {
    %c0_i32 = arith.constant 0 : i32
    %c0_i32_0 = arith.constant 0 : i32
    %c0_i32_1 = arith.constant 0 : i32
    return %c0_i32, %c0_i32_0 : i32, i32
  }
  func.func @transform_9(%arg0: i32) -> (i32, i32) {
    %c0_i32 = arith.constant 0 : i32
    %c0_i32_0 = arith.constant 0 : i32
    %c0_i32_1 = arith.constant 0 : i32
    return %c0_i32, %c0_i32_0 : i32, i32
  }
  func.func @transform_10(%arg0: i32) -> (i32, i32) {
    %c0_i32 = arith.constant 0 : i32
    %c0_i32_0 = arith.constant 0 : i32
    return %arg0, %c0_i32 : i32, i32
  }
  func.func @transform_11(%arg0: i32) -> (i32, i32) {
    %c0_i32 = arith.constant 0 : i32
    %c0_i32_0 = arith.constant 0 : i32
    %c0_i32_1 = arith.constant 0 : i32
    return %c0_i32, %c0_i32_0 : i32, i32
  }
  func.func @transform_12(%arg0: i32) -> (i32, i32) {
    %c0_i32 = arith.constant 0 : i32
    %c0_i32_0 = arith.constant 0 : i32
    return %arg0, %c0_i32 : i32, i32
  }
}

</mosaic_0001>

<sc_bundles>
// kernel: kernel.5.cloned.1.call-start
scs
__scs_entry_jumppad:
0x0: {  	(pc) =	sbr.rel $0x88, $3  }
0x1: {  	(tag) =	ssettag $0x0;
	lr =	simm.s32 $0x1  }
0x2: {  	[smem:$0x3F8F] =	sst lr;
	_ =	strace $0xD0000000  }
0x3: {  	_ = 	snop  }
0x4: {  	_ = 	snop  }
0x5: {  	_ = 	snop  }
0x6: {  	_ = 	snop  }
0x7: {  	_ = 	snop  }
__scs_overlays_trampoline_lowered:
0x8: {  	[smem:$0x3F9E] =	sst s0  }
0x9: {  	[smem:$0x3F9F] =	sst s1  }
0xa: {  	[smem:$0x3FA0] =	sst s2  }
0xb: {  	[smem:$0x3FA1] =	sst s3  }
0xc: {  	[smem:$0x3FA2] =	sst s4  }
0xd: {  	[smem:$0x3FA3] =	sst s5  }
0xe: {  	[smem:$0x3FA4] =	sst s6  }
0xf: {  	[smem:$0x3FA5] =	sst s7  }
0x10: {  	[smem:$0x3FA6] =	sst s8  }
0x11: {  	[smem:$0x3FA7] =	sst s9;
	s0 =	simm.s32 @!p0 $0x0  }
0x12: {  	s1 =	sld [smem:$0x3F8D];
	s0 =	simm.s32 @p0 $0x1  }
0x13: {  	[smem:$0x3FA8] =	sst s0;
	s0 =	simm.s32 @!p1 $0x0  }
0x14: {  	s2 =	sld [smem:$0x3F8C];
	s0 =	simm.s32 @p1 $0x1  }
0x15: {  	[smem:$0x3FA9] =	sst s0;
	s0 =	simm.s32 @!p2 $0x0  }
0x16: {  	s3 =	sld [smem:$0x3FDB];
	s0 =	simm.s32 @p2 $0x1  }
0x17: {  	s4 =	simm.s32 $0x1BF5;
	[smem:$0x3FAB] =	sst s0  }
0x18: {  	s0 =	sld [smem:$0x3F8E];
	_ =	swait.ge [sflag:s4], $0x0  }
0x19: {  	s7 =	sld [smem:$0x3F8F]  }
0x1a: {  	s8 =	sadd.s32 $0xFFFFE003, lr  }
0x1b: {  	s9 =	sadd.s32 $0xFFFFFEF7, lr;
	s5 =	simm.s32 $0xFFFFFFFF;
	p2 =	slt.u32 s8, $0xFFFFF086  }
0x1c: {  	p1 =	slt.u32 s9, $0xF7A;
	s5 =	simm.s32 @!p2 $0x0  }
0x1d: {  	s5 =	simm.s32 @p1 $0x1;
	p0 =	seq.s32 s7, s2  }
0x1e: {  	s7 =	smul.u32 @!p0 $0xF7A, s2;
	p2 =	seq.s32 @!p0 s5, $0x0  }
0x1f: {  	s9 =	smul.u32 $0xF7A, s1;
	s8 =	simm.s32 @!p0 $0x1BF5;
	p2 =	por !p2, p0  }
0x20: {  	[sflag:s8] =	ssyncset.s32 @!p0 $0xFFFFF086;
	s6 =	sadd.s32 @!p0 s3, s7;
	s7 =	simm.s32 @!p0 $0x108  }
0x21: {  	s3 =	sadd.s32 s3, s9;
	s6 =	sadd.s32 @!p0 $0x88, s6;
	s7 =	simm.s32 @p2 $0x1082  }
0x22: {  	[simem:s7], [sflag:s8] =	dma.local @!p0 [hbm:s6], $0xF7A  }
0x23: {  	s9 =	sor.u32 $0xD0000000, s2;
	s6 =	simm.s32 $0x108;
	_ =	swait.ge @!p0 [sflag:s8], $0x0  }
0x24: {  	s3 =	sadd.s32 $0x88, s3;
	s6 =	simm.s32 @!p1 $0x1082;
	[sflag:s4] =	ssyncset.s32 $0xFFFFF086  }
0x25: {  	[simem:s6], [sflag:s4] =	dma.local [hbm:s3], $0xF7A  }
0x26: {  	[smem:$0x3F8F] =	sst s1;
	(tag) =	ssettag s2;
	_ =	strace s9  }
0x27: {  	s1 =	sld [smem:$0x3F9F]  }
0x28: {  	s2 =	sld [smem:$0x3FA0]  }
0x29: {  	s4 =	sld [smem:$0x3FA2]  }
0x2a: {  	p0 =	seq.s32 s5, $0x0;
	s5 =	sld [smem:$0x3FA3]  }
0x2b: {  	s6 =	sld [smem:$0x3FA4]  }
0x2c: {  	s7 =	sld [smem:$0x3FA5]  }
0x2d: {  	s3 =	simm.s32 $0x108;
	s8 =	sld [smem:$0x3FA6]  }
0x2e: {  	s3 =	simm.s32 @!p0 $0x1082;
	s9 =	sld [smem:$0x3FA7]  }
0x2f: {  	lr =	sadd.s32 s0, s3;
	s0 =	sld [smem:$0x3F9E]  }
0x30: {  	s3 =	sld [smem:$0x3FA1]  }
0x31: {  	[smem:$0x3FAA] =	sst s10  }
0x32: {  	s10 =	sld [smem:$0x3FA8];
	_ =	sdelay $0x3  }
0x33: {  	p0 =	seq.s32 s10, $0x1;
	s10 =	sld [smem:$0x3FAA];
	_ =	sdelay $0x3  }
0x34: {  	[smem:$0x3FAA] =	sst s10  }
0x35: {  	s10 =	sld [smem:$0x3FA9];
	_ =	sdelay $0x3  }
0x36: {  	p1 =	seq.s32 s10, $0x1;
	s10 =	sld [smem:$0x3FAA];
	_ =	sdelay $0x3  }
0x37: {  	[smem:$0x3FAA] =	sst s10  }
0x38: {  	s10 =	sld [smem:$0x3FAB]  }
0x39: {  	_ = 	snop;
	(pc) =	sbr.ind lr, $3  }
0x3a: {  	_ = 	snop  }
0x3b: {  	_ = 	snop  }
0x3c: {  	p2 =	seq.s32 s10, $0x1;
	s10 =	sld [smem:$0x3FAA]  }
0x3d: {  	_ =	shalt  }
0x3e: {  	_ =	shalt  }
0x3f: {  	_ =	shalt  }
0x40: {  	_ =	shalt  }
0x41: {  	_ =	shalt  }
0x42: {  	_ =	shalt  }
0x43: {  	_ =	shalt  }
0x44: {  	_ =	shalt  }
0x45: {  	_ =	shalt  }
0x46: {  	_ =	shalt  }
0x47: {  	_ =	shalt  }
0x48: {  	_ =	shalt  }
0x49: {  	_ =	shalt  }
0x4a: {  	_ =	shalt  }
0x4b: {  	_ =	shalt  }
0x4c: {  	_ =	shalt  }
0x4d: {  	_ =	shalt  }
0x4e: {  	_ =	shalt  }
0x4f: {  	_ =	shalt  }
0x50: {  	_ =	shalt  }
0x51: {  	_ =	shalt  }
0x52: {  	_ =	shalt  }
0x53: {  	_ =	shalt  }
0x54: {  	_ =	shalt  }
0x55: {  	_ =	shalt  }
0x56: {  	_ =	shalt  }
0x57: {  	_ =	shalt  }
0x58: {  	_ =	shalt  }
0x59: {  	_ =	shalt  }
0x5a: {  	_ =	shalt  }
0x5b: {  	_ =	shalt  }
0x5c: {  	_ =	shalt  }
0x5d: {  	_ =	shalt  }
0x5e: {  	_ =	shalt  }
0x5f: {  	_ =	shalt  }
0x60: {  	_ =	shalt  }
0x61: {  	_ =	shalt  }
0x62: {  	_ =	shalt  }
0x63: {  	_ =	shalt  }
0x64: {  	_ =	shalt  }
0x65: {  	_ =	shalt  }
0x66: {  	_ =	shalt  }
0x67: {  	_ =	shalt  }
0x68: {  	_ =	shalt  }
0x69: {  	_ =	shalt  }
0x6a: {  	_ =	shalt  }
0x6b: {  	_ =	shalt  }
0x6c: {  	_ =	shalt  }
0x6d: {  	_ =	shalt  }
0x6e: {  	_ =	shalt  }
0x6f: {  	_ =	shalt  }
0x70: {  	_ =	shalt  }
0x71: {  	_ =	shalt  }
0x72: {  	_ =	shalt  }
0x73: {  	_ =	shalt  }
0x74: {  	_ =	shalt  }
0x75: {  	_ =	shalt  }
0x76: {  	_ =	shalt  }
0x77: {  	_ =	shalt  }
0x78: {  	_ =	shalt  }
0x79: {  	_ =	shalt  }
0x7a: {  	_ =	shalt  }
0x7b: {  	_ =	shalt  }
0x7c: {  	_ =	shalt  }
0x7d: {  	_ =	shalt  }
0x7e: {  	_ =	shalt  }
0x7f: {  	_ =	shalt  }
0x80: {  	_ =	shalt  }
0x81: {  	_ =	shalt  }
0x82: {  	_ =	shalt  }
0x83: {  	_ =	shalt  }
0x84: {  	_ =	shalt  }
0x85: {  	_ =	shalt  }
0x86: {  	_ =	shalt  }
0x87: {  	_ =	shalt  }
.Lfunc_end0:
.L_simem_size_0:
called_computation_lowered:
.L_overlay_start_0:
0x88: {  	s2 =	sld [smem:$0x3FD9]  }
0x89: {  	s3 =	sld [smem:$0x3FFE];
	_ =	sdelay $0x1  }
0x8a: {  	s1 =	srdreg.scid  }
0x8b: {  	s0 =	sand.u32 $0x1, s1  }
0x8c: {  	s14 =	sshll.u32 s0, $0xA;
	s2 =	sadd.s32 s3, s2  }
0x8d: {  	s2 =	sadd.s32 s2, s14  }
0x8e: {  	[smem:$0x3FB6] =	sst s2  }
0x8f: {  	_ = 	snop  }
0x90: {  	s2 =	sld [smem:$0x3FD0];
	_ =	sdelay $0x2  }
0x91: {  	s15 =	simm.s32 $0xA;
	s4 =	simm.s32 $0x10  }
0x92: {  	[smem:s4], [sflag:s15] =	dma.local [hbm:s2], $0x1  }
0x93: {  	_ =	swait.eq [sflag:s15], $0x1  }
0x94: {  	[sflag:s15] =	ssyncset.done $0x0  }
0x95: {  	[sflag:s15] =	ssyncadd.s32 $0xFFFFFFFF  }
0x96: {  	s16 =	sld [smem:$0x11];
	(tm) =	ssettm $0x1  }
0x97: {  	s17 =	sld [smem:$0x3FFB];
	_ =	sdelay $0x3  }
0x98: {  	_ =	strace s17  }
0x99: {  	s3 =	sld [smem:$0x3FFC];
	_ =	sdelay $0x3  }
0x9a: {  	_ =	strace s3  }
0x9b: {  	s3 =	sld [smem:$0x3FFD];
	_ =	sdelay $0x3  }
0x9c: {  	_ =	strace s3  }
0x9d: {  	_ =	strace $0x8FFFFFFF  }
0x9e: {  	s18 =	sld [smem:$0x3FDB];
	_ =	sdelay $0x1  }
0x9f: {  	s19 =	simm.s32 $_scs_section_size  }
0xa0: {  	s5 =	simm.s32 $_size__tile_overlayer_lowered;
	s6 =	simm.s32 $_tile_overlayer_lowered  }
0xa1: {  	s22 =	simm.s32 $0x1BFF;
	s21 =	sshll.u32 s6, $0x1;
	s3 =	sadd.s32 s19, s18  }
0xa2: {  	s7 =	simm.s32 $0x0;
	s20 =	sshll.u32 s5, $0x1;
	s5 =	sadd.s32 s21, s3  }
0xa3: {  	[timem:s7], [sflag:s22] =	dma.local [hbm:s5], s20  }
0xa4: {  	_ =	swait.ge [sflag:s22], s20  }
0xa5: {  	s4 =	ssub.s32 $0x0, s20;
	[sflag:s22] =	ssyncset.done $0x0  }
0xa6: {  	[sflag:s22] =	ssyncadd.s32 s4;
	_ =	sdelay $0x1  }
0xa7: {  	s23 =	simm.s32 $0x1B8B  }
0xa8: {  	_ =	swait.ge [sflag:s23], $0x1  }
0xa9: {  	[sflag:s23] =	ssyncset.done $0x0  }
0xaa: {  	s25 =	simm.s32 $0x1B8E;
	s24 =	sld [smem:$0x3FFE];
	[sflag:s23] =	ssyncadd.s32 $0xFFFFFFFF  }
0xab: {  	s26 =	simm.s32 $execute0_lowered;
	[smem:$0x3FD2] =	sst s25  }
0xac: {  	s5 =	sshll.u32 s26, $0x1;
	_ =	strace $0x80000046;
	[dreg:$0x1] =	wrdreg $0xFFFFFFFF  }
0xad: {  	s28 =	simm.s32 $_size_execute0_lowered;
	s3 =	sadd.s32 s3, s5;
	[dreg:$0x0] =	wrdreg $0x0  }
0xae: {  	s5 =	sshll.u32 s28, $0x1;
	[dreg:$0x2] =	wrdreg s3  }
0xaf: {  	[dreg:$0x3] =	wrdreg s5  }
0xb0: {  	[dreg:$0x4] =	wrdreg $0xC0  }
0xb1: {  	_ =	task [dreg:s7], $0x5FFFF  }
0xb2: {  	[dreg:$0x1] =	wrdreg $0xFFFFFFFF  }
0xb3: {  	[dreg:$0x0] =	wrdreg $0x60  }
0xb4: {  	[dreg:$0x2] =	wrdreg s16  }
0xb5: {  	[dreg:$0x3] =	wrdreg s24  }
0xb6: {  	[dreg:$0x4] =	wrdreg $0x9  }
0xb7: {  	_ =	task.clear_ibuf [dreg:s7], $0x5FFFF;
	_ =	strace $0x90000046  }
0xb8: {  	s29 =	simm.s32 $0x9;
	_ =	strace $0x80000048  }
0xb9: {  	_ =	swait.ge [sflag:s29], $0x1  }
0xba: {  	[sflag:s29] =	ssyncadd.s32 $0xFFFFFFFF  }
0xbb: {  	_ =	strace $0x90000048  }
0xbc: {  	_ =	sfence  }
0xbd: {  	s30 =	sld [smem:$0x0];
	_ =	sdelay $0x2  }
0xbe: {  	s31 =	sshll.u32 s1, $0xD;
	s1 =	sshrl.u32 s1, $0x2  }
0xbf: {  	s3 =	sand.u32 $0x4000, s31;
	s1 =	sadd.s32 s1, s30  }
0xc0: {  	s0 =	sor.u32 s3, s0;
	s1 =	sshll.u32 s1, $0x11  }
0xc1: {  	s0 =	sor.u32 s1, s0  }
0xc2: {  	s0 =	sadd.s32 $0x8F2B, s0  }
0xc3: {  	[sflag:s0] =	ssyncadd.remote.s32 $0x1  }
0xc4: {  	_ =	sfence.sel $0xFFFF  }
0xc5: {  	[dreg:$0x0] =	wrdreg $0xFFFFFFFF;
	(pc) =	sbr.abs _section_cstart, $3  }
0xc6: {  	[dreg:$0x1] =	wrdreg $0xFFFFFFFF  }
0xc7: {  	_ =	task.clear_ibuf [dreg:s7], $0x2FFFF;
	_ =	strace $0x9FFFFFFF  }
0xc8: {  	(tm) =	ssettm $0x7FFFFFFF  }
0xc9: {  	_ =	shalt  }
tec
execute0_lowered:
.L_overlay_start_1:
0x0: {  	(tag) =	ssettag $0x1  }
0x1: {  	s1 =	srdreg.scid;
	s5 =	rddreg [dreg:$0x0]  }
0x2: {  	s0 =	stileid.u32;
	s7 =	rddreg [dreg:$0x1]  }
0x3: {  	s2 =	simm.s32 $0x0;
	s6 =	sand.u32 $0x1, s1;
	s29 =	sshll.u32 s0, $0x1  }
0x4: {  	[smem:$0x7FF] =	sst s2;
	s8 =	sor.u32 s6, s29  }
0x5: {  	s1 =	rddreg [dreg:$0x2];
	_ =	strace $0x80000047;
	s3 =	sshll.u32 s8, $0x6  }
0x6: {  	s9 =	ssub.s32 $0x2, s6;
	s6 =	simm.s32 $0x200;
	s3 =	sadd.s32 s3, s7  }
0x7: {  	s30 =	sshll.u32 s8, $0xC;
	s4 =	sadd.s32 $0x3000, s3;
	s3 =	simm.s32 $0x1  }
0x8: {  	[tilespmem:s2], [sflag:$0x1] =	stream.linear.gather [hbm4b:s4+s2], $0x200, $0x38;
	[tilespmem:$0x10200] =	vst v63  }
0x9: {  	s8 =	sshll.u32 s8, $0xD;
	s10 =	sshrl.u32 s9, $0x1;
	_ =	swait.ge [sflag:s3], $0x200  }
0xa: {  	s5 =	sadd.s32 s5, s30;
	s31 =	ssub.s32 s9, s10;
	[sflag:s3] =	ssyncset.done $0x0  }
0xb: {  	s7 =	sadd.s32 s8, s7;
	s8 =	smax.u32 s31, $0x1;
	[sflag:s3] =	ssyncadd.s32 $0xFFFFFE00  }
0xc: {  	[tilespmem:s6], [sflag:$0x1] =	stream.linear.gather [hbm4b:s5+s2], $0x10000, $0x38;
	[tilespmem:$0x10200] =	vst v63  }
0xd: {  	p0 =	sne.s32 s8, $0x1;
	_ =	swait.ge [sflag:s3], $0x10000  }
.Ltmp0:
0xe: {  	[sflag:s3] =	ssyncset.done $0x0;
	(pc) =	sbr.rel @!p0 .LBB2_2-.Ltmp0, $4  }
0xf: {  	s7 =	sadd.s32 $0x3800, s7;
	[sflag:s3] =	ssyncadd.s32 $0xFFFF0000  }
0x10: {  	[hbm4b:s7+s2] =	stream.linear.scatter [tilespmem:s6], [sflag:$0x1], $0x10000, $0x38;
	[tilespmem:$0x10200] =	vst v63  }
0x11: {  	_ =	swait.ge [sflag:s3], $0x10000  }
0x12: {  	s8 =	sadd.s32 $0xFFFFFFFF, s8;
	[sflag:s3] =	ssyncset.done $0x0  }
.LBB2_1:
0x13: {  	p0 =	sne.s32 s8, $0x1;
	s8 =	sadd.s32 $0xFFFFFFFF, s8;
	[sflag:s3] =	ssyncadd.s32 $0xFFFF0000  }
0x14: {  	[tilespmem:s2], [sflag:$0x1] =	stream.linear.gather [hbm4b:s4+s2], $0x200, $0x38;
	[tilespmem:$0x10200] =	vst v63  }
0x15: {  	_ =	swait.ge [sflag:s3], $0x200  }
0x16: {  	[sflag:s3] =	ssyncset.done $0x0  }
0x17: {  	[sflag:s3] =	ssyncadd.s32 $0xFFFFFE00  }
0x18: {  	[tilespmem:s6], [sflag:$0x1] =	stream.linear.gather [hbm4b:s5+s2], $0x10000, $0x38;
	[tilespmem:$0x10200] =	vst v63  }
0x19: {  	_ =	swait.ge [sflag:s3], $0x10000  }
.Ltmp1:
0x1a: {  	[sflag:s3] =	ssyncset.done $0x0;
	(pc) =	sbr.rel @p0 .LBB2_1-.Ltmp1, $4  }
0x1b: {  	[sflag:s3] =	ssyncadd.s32 $0xFFFF0000  }
0x1c: {  	[hbm4b:s7+s2] =	stream.linear.scatter [tilespmem:s6], [sflag:$0x1], $0x10000, $0x38;
	[tilespmem:$0x10200] =	vst v63  }
0x1d: {  	_ =	swait.ge [sflag:s3], $0x10000  }
0x1e: {  	[sflag:s3] =	ssyncset.done $0x0  }
.LBB2_2:
0x1f: {  	[sflag:s3] =	ssyncadd.s32 $0xFFFF0000  }
0x20: {  	_ =	sfence.sel $0x180000  }
0x21: {  	[bflag:$0x0] =	sbarrier.arrive $0xFFFF  }
0x22: {  	p0 =	sne.s32 s0, $0x0;
	_ =	strace $0x90000047  }
0x23: {  	s0 =	sadd.s32 @!p0 $0x100000, s1;
	[bflag:$0x2] =	sbarrier.arrive $0xFFFF  }
0x24: {  	[sflag:s0] =	ssyncadd.tile.s32 @!p0 $0x1;
	_ =	shalt  }
.Lfunc_end2:
_tile_overlayer_lowered:
.L_overlay_start_2:
0x25: {  	(tag) =	ssettag $0x2  }
0x26: {  	s0 =	rddreg [dreg:$0x0];
	s2 =	stileid.u32  }
0x27: {  	s1 =	rddreg [dreg:$0x1];
	p0 =	sne.s32 s2, $0x0  }
0x28: {  	s3 =	rddreg [dreg:$0x2];
	[bflag:$0x3] =	sbarrier.arrive $0xFFFF;
	s2 =	simm.s32 @!p0 $0x1C01  }
0x29: {  	[timem:s3], [sflag:s2] =	dma.local @!p0 [hbm:s0], s1  }
0x2a: {  	s0 =	simm.s32 @!p0 $0x1  }
0x2b: {  	_ =	swait.ge @!p0 [sflag:s0], s1  }
0x2c: {  	s1 =	ssub.s32 @!p0 $0x0, s1;
	[sflag:s0] =	ssyncset.done @!p0 $0x0  }
0x2d: {  	[sflag:s0] =	ssyncadd.s32 @!p0 s1  }
0x2e: {  	[bflag:$0x3] =	sbarrier.arrive $0xFFFF  }
0x2f: {  	_ =	shalt  }

</sc_bundles>
